<compile_context>
chip_gen: v7x
topology: tpu7x:2x2x1
jax: 0.10.2.dev20260603
libtpu: 0.0.44.dev20260713+nightly
codegen_flags: <defaults>
</compile_context>

<pallas_src>
import jax
import jax.numpy as jnp
from jax import lax
from jax.experimental import pallas as pl
from jax.experimental.pallas import tpu as pltpu
from jax.experimental.pallas import tpu_sc as plsc

B = 4096
IN_FLAT = 352
HIDDEN = 1024
D = 256
K = 8192
COMMITMENT_COST = 0.25

BM = 1024
NB = B // BM
KB = 1024
NK = K // KB

_PREC = lax.Precision.HIGHEST
_BF = jnp.bfloat16


def _bdot(a, b, dims):
    return lax.dot_general(a.astype(_BF), b.astype(_BF), dims,
                           preferred_element_type=jnp.float32)


def _enc_argmin_body(x_ref, W1_ref, b1_ref, W2_ref, b2_ref, cb_ref,
                     idx_ref, loss_ref, cbm2_ref, cn_ref):
    i = pl.program_id(0)

    @pl.when(i == 0)
    def _():
        cbf = cb_ref[...]
        cbm2_ref[...] = (cbf * -2.0).astype(_BF)
        ones_row = jnp.ones((1, D), dtype=jnp.float32)
        cn_ref[...] = lax.dot_general(
            ones_row, cbf * cbf, (((1,), (1,)), ((), ())),
            precision=_PREC, preferred_element_type=jnp.float32)
        loss_ref[...] = jnp.zeros_like(loss_ref)

    h = jnp.maximum(
        _bdot(x_ref[...], W1_ref[...], (((1,), (0,)), ((), ()))) + b1_ref[...],
        0.0)
    e = _bdot(h, W2_ref[...], (((1,), (0,)), ((), ()))) + b2_ref[...]
    e_bf = e.astype(_BF)
    en = jnp.sum(e * e, axis=1, keepdims=True)
    iotaf = lax.broadcasted_iota(jnp.int32, (BM, KB), 1).astype(jnp.float32)

    best = jnp.full((BM, 1), jnp.inf, dtype=jnp.float32)
    bidx = jnp.zeros((BM, 1), dtype=jnp.float32)
    for j in range(NK):
        sc = lax.dot_general(e_bf, cbm2_ref[j * KB:(j + 1) * KB, :],
                             (((1,), (1,)), ((), ())),
                             preferred_element_type=jnp.float32)
        d = (en + sc) + cn_ref[:, j * KB:(j + 1) * KB]
        bm = jnp.min(d, axis=1, keepdims=True)
        la = jnp.min(jnp.where(d == bm, iotaf, float(KB)),
                     axis=1, keepdims=True)
        upd = bm < best
        bidx = jnp.where(upd, la + float(j * KB), bidx)
        best = jnp.where(upd, bm, best)

    idx_ref[...] = bidx.astype(jnp.int32)
    loss_ref[...] += jnp.sum(best)


def _decoder_body(q_ref, W1_ref, b1_ref, W2_ref, b2_ref, out_ref):
    h = jnp.maximum(
        _bdot(q_ref[...], W1_ref[...], (((1,), (0,)), ((), ()))) + b1_ref[...],
        0.0)
    out_ref[...] = (
        _bdot(h, W2_ref[...], (((1,), (0,)), ((), ()))) + b2_ref[...])


_NC = 2
_NS = 16
_NW = _NC * _NS
_BPW = B // _NW


def _sc_gather_body(cb_hbm, idx_hbm, out_hbm, idx_v, rows_v, sem):
    wid = lax.axis_index("s") * _NC + lax.axis_index("c")
    base = wid * _BPW
    pltpu.sync_copy(idx_hbm.at[pl.ds(base, _BPW)], idx_v)
    pltpu.async_copy(cb_hbm.at[idx_v], rows_v, sem).wait()
    pltpu.sync_copy(rows_v, out_hbm.at[pl.ds(base, _BPW)])


def _sc_gather(codebook, idx):
    return pl.kernel(
        _sc_gather_body,
        out_type=jax.ShapeDtypeStruct((B, D), jnp.float32),
        mesh=plsc.VectorSubcoreMesh(core_axis_name="c", subcore_axis_name="s"),
        scratch_types=[
            pltpu.VMEM((_BPW,), jnp.int32),
            pltpu.VMEM((_BPW, D), jnp.float32),
            pltpu.SemaphoreType.DMA,
        ],
    )(codebook, idx)


def kernel(x, W_enc1, b_enc1, W_enc2, b_enc2, codebook,
           W_dec1, b_dec1, W_dec2, b_dec2):
    xf = x.reshape(B, IN_FLAT)

    idx2d, loss_sum = pl.pallas_call(
        _enc_argmin_body,
        grid=(NB,),
        in_specs=[
            pl.BlockSpec((BM, IN_FLAT), lambda i: (i, 0)),
            pl.BlockSpec((IN_FLAT, HIDDEN), lambda i: (0, 0)),
            pl.BlockSpec((1, HIDDEN), lambda i: (0, 0)),
            pl.BlockSpec((HIDDEN, D), lambda i: (0, 0)),
            pl.BlockSpec((1, D), lambda i: (0, 0)),
            pl.BlockSpec((K, D), lambda i: (0, 0)),
        ],
        out_specs=[
            pl.BlockSpec((BM, 1), lambda i: (i, 0)),
            pl.BlockSpec((1, 1), lambda i: (0, 0)),
        ],
        out_shape=[
            jax.ShapeDtypeStruct((B, 1), jnp.int32),
            jax.ShapeDtypeStruct((1, 1), jnp.float32),
        ],
        scratch_shapes=[
            pltpu.VMEM((K, D), _BF),
            pltpu.VMEM((1, K), jnp.float32),
        ],
    )(xf, W_enc1, b_enc1.reshape(1, HIDDEN), W_enc2, b_enc2.reshape(1, D),
      codebook)

    idx = idx2d.reshape(B)
    quantized = _sc_gather(codebook, idx)

    decoded = pl.pallas_call(
        _decoder_body,
        grid=(NB,),
        in_specs=[
            pl.BlockSpec((BM, D), lambda i: (i, 0)),
            pl.BlockSpec((D, HIDDEN), lambda i: (0, 0)),
            pl.BlockSpec((1, HIDDEN), lambda i: (0, 0)),
            pl.BlockSpec((HIDDEN, IN_FLAT), lambda i: (0, 0)),
            pl.BlockSpec((1, IN_FLAT), lambda i: (0, 0)),
        ],
        out_specs=pl.BlockSpec((BM, IN_FLAT), lambda i: (i, 0)),
        out_shape=jax.ShapeDtypeStruct((B, IN_FLAT), jnp.float32),
    )(quantized, W_dec1, b_dec1.reshape(1, HIDDEN), W_dec2,
      b_dec2.reshape(1, IN_FLAT))

    vq_loss = (COMMITMENT_COST / (B * D)) * loss_sum[0, 0]
    return (decoded.reshape(B, 4, 88), vq_loss)

# --- scband reference (transcript-rebuilt; emitter-appended) ---
"""Pipeline reference for scband-vqvae-48309792146061 (READ-ONLY COPY).

The authoritative reference and input builder live on the scoring server;
editing this copy changes nothing except your own understanding.
"""

import jax, jax.numpy as jnp
import numpy as np

B = 4096
IN_FLAT = 4 * 88
HIDDEN = 1024
EMBEDDING_DIM = 256
NUM_EMBEDDINGS = 8192
COMMITMENT_COST = 0.25


def setup_inputs(seed: int = 0) -> dict:
    key = jax.random.key(seed)
    ks = jax.random.split(key, 10)
    x = jax.random.uniform(ks[0], (B, 4, 88), dtype=jnp.float32)
    W_enc1 = jax.random.normal(ks[1], (IN_FLAT, HIDDEN), dtype=jnp.float32) * (1.0 / np.sqrt(IN_FLAT))
    b_enc1 = jnp.zeros((HIDDEN,), dtype=jnp.float32)
    W_enc2 = jax.random.normal(ks[2], (HIDDEN, EMBEDDING_DIM), dtype=jnp.float32) * (1.0 / np.sqrt(HIDDEN))
    b_enc2 = jnp.zeros((EMBEDDING_DIM,), dtype=jnp.float32)
    codebook = jax.random.normal(ks[3], (NUM_EMBEDDINGS, EMBEDDING_DIM), dtype=jnp.float32) * 0.05
    W_dec1 = jax.random.normal(ks[4], (EMBEDDING_DIM, HIDDEN), dtype=jnp.float32) * (1.0 / np.sqrt(EMBEDDING_DIM))
    b_dec1 = jnp.zeros((HIDDEN,), dtype=jnp.float32)
    W_dec2 = jax.random.normal(ks[5], (HIDDEN, IN_FLAT), dtype=jnp.float32) * (1.0 / np.sqrt(HIDDEN))
    b_dec2 = jnp.zeros((IN_FLAT,), dtype=jnp.float32)
    return {"x": x, "W_enc1": W_enc1, "b_enc1": b_enc1, "W_enc2": W_enc2, "b_enc2": b_enc2,
            "codebook": codebook, "W_dec1": W_dec1, "b_dec1": b_dec1, "W_dec2": W_dec2, "b_dec2": b_dec2}


def reference(x, W_enc1, b_enc1, W_enc2, b_enc2, codebook, W_dec1, b_dec1, W_dec2, b_dec2):
    Bsz = x.shape[0]
    # Encoder1D: flatten -> MLP -> embedding
    h = jnp.maximum(x.reshape(Bsz, -1) @ W_enc1 + b_enc1, 0.0)
    encoded = h @ W_enc2 + b_enc2  # [B, embedding_dim]
    # VectorQuantizerEMA forward (inference path; EMA buffer updates are not differentiable state)
    dists = (jnp.sum(encoded ** 2, axis=1, keepdims=True)
             - 2.0 * (encoded @ codebook.T)
             + jnp.sum(codebook ** 2, axis=1)[None, :])  # [B, K]
    idx = jnp.argmin(dists, axis=1)  # [B]
    quantized = jnp.take(codebook, idx, axis=0)  # [B, embedding_dim]
    e_latent_loss = jnp.mean((jax.lax.stop_gradient(quantized) - encoded) ** 2)
    vq_loss = COMMITMENT_COST * e_latent_loss
    # straight-through estimator
    quantized_st = encoded + jax.lax.stop_gradient(quantized - encoded)
    # Decoder1D: MLP -> reshape to [B, 4, 88]
    h2 = jnp.maximum(quantized_st @ W_dec1 + b_dec1, 0.0)
    decoded = (h2 @ W_dec2 + b_dec2).reshape(Bsz, 4, 88)
    return (decoded, vq_loss)

if __name__ == "__main__":
    import jax
    _d = setup_inputs()
    print(jax.jit(kernel)(*tuple(_d.values())))

</pallas_src>

<mosaic_0001>
#map = affine_map<(d0, d1) -> (0, 0)>
#map1 = affine_map<(d0, d1) -> (0)>
module attributes {stable_mosaic.version = 14 : i64} {
  func.func @_sc_gather_body(%arg0: i32, %arg1: i32, %arg2: memref<8192x256xf32, #tpu.memory_space<hbm>>, %arg3: memref<4096xi32, #tpu.memory_space<hbm>>, %arg4: memref<4096x256xf32, #tpu.memory_space<hbm>>, %arg5: memref<128xi32, #tpu.memory_space<vmem>>, %arg6: memref<128x256xf32, #tpu.memory_space<vmem>>, %arg7: memref<!tpu.dma_semaphore, #tpu.memory_space<semaphore_mem>>) attributes {dimension_semantics = [#tpu.dimension_semantics<core_parallel>, #tpu.dimension_semantics<subcore_parallel>], iteration_bounds = array<i64: 2, 16>, scalar_prefetch = 0 : i64, scratch_operands = 3 : i64, tpu.core_type = #tpu.core_type<sc_vector_subcore>, window_params = [{transform_indices = #map}, {transform_indices = #map1}, {transform_indices = #map}]} {
    %mul3A = arith.constant 2 : i32
    %mul3A_0 = arith.muli %arg1, %mul3A : i32
    %add3A = arith.addi %mul3A_0, %arg0 : i32
    %mul3A_1 = arith.constant 128 : i32
    %mul3A_2 = arith.muli %add3A, %mul3A_1 : i32
    "tpu.region"() ({
      %run_scoped3A = tpu.sem_alloc : memref<!tpu.dma_semaphore, #tpu.memory_space<semaphore_mem>>
      %dma_start3A_7 = tpu.memref_slice %arg3[%mul3A_2] : memref<4096xi32, #tpu.memory_space<hbm>> -> memref<128xi32, #tpu.memory_space<hbm>>
      %dma_start3A_8 = tpu.memref_slice %arg3[%mul3A_2] : memref<4096xi32, #tpu.memory_space<hbm>> -> memref<128xi32, #tpu.memory_space<hbm>>
      tpu.enqueue_dma source(%dma_start3A_8 : memref<128xi32, #tpu.memory_space<hbm>>) target(%arg5 : memref<128xi32, #tpu.memory_space<vmem>>) target_semaphore(%run_scoped3A : memref<!tpu.dma_semaphore, #tpu.memory_space<semaphore_mem>>)
      %dma_wait3A_9 = tpu.memref_slice %arg3[%mul3A_2] : memref<4096xi32, #tpu.memory_space<hbm>> -> memref<128xi32, #tpu.memory_space<hbm>>
      %dma_wait3A_10 = tpu.memref_slice %arg3[%mul3A_2] : memref<4096xi32, #tpu.memory_space<hbm>> -> memref<128xi32, #tpu.memory_space<hbm>>
      tpu.wait_dma2 semaphore(%run_scoped3A : memref<!tpu.dma_semaphore, #tpu.memory_space<semaphore_mem>>) src(%dma_wait3A_10 : memref<128xi32, #tpu.memory_space<hbm>>) dst(%arg5 : memref<128xi32, #tpu.memory_space<vmem>>)
      tpu.yield
    }) : () -> ()
    %dma_start3A = arith.constant 0 : i32
    %dma_start3A_3 = arith.constant 0 : i32
    %dma_start3A_4 = tpu.memref_slice %arg2[%dma_start3A, %dma_start3A_3] : memref<8192x256xf32, #tpu.memory_space<hbm>> -> memref<8192x256xf32, #tpu.memory_space<hbm>>
    tpu.enqueue_indirect_dma source(%dma_start3A_4 : memref<8192x256xf32, #tpu.memory_space<hbm>>) target(%arg6 : memref<128x256xf32, #tpu.memory_space<vmem>>) offsets(%arg5 : memref<128xi32, #tpu.memory_space<vmem>>) semaphore(%arg7 : memref<!tpu.dma_semaphore, #tpu.memory_space<semaphore_mem>>)
    %dma_wait3A = arith.constant 0 : i32
    %dma_wait3A_5 = arith.constant 0 : i32
    %dma_wait3A_6 = tpu.memref_slice %arg2[%dma_wait3A, %dma_wait3A_5] : memref<8192x256xf32, #tpu.memory_space<hbm>> -> memref<8192x256xf32, #tpu.memory_space<hbm>>
    tpu.wait_indirect_dma semaphore(%arg7 : memref<!tpu.dma_semaphore, #tpu.memory_space<semaphore_mem>>) src(%dma_wait3A_6 : memref<8192x256xf32, #tpu.memory_space<hbm>>) dst(%arg6 : memref<128x256xf32, #tpu.memory_space<vmem>>)
    "tpu.region"() ({
      %run_scoped3A = tpu.sem_alloc : memref<!tpu.dma_semaphore, #tpu.memory_space<semaphore_mem>>
      %dma_start3A_7 = arith.constant 0 : i32
      %dma_start3A_8 = tpu.memref_slice %arg4[%mul3A_2, %dma_start3A_7] : memref<4096x256xf32, #tpu.memory_space<hbm>> -> memref<128x256xf32, #tpu.memory_space<hbm>>
      %dma_start3A_9 = arith.constant 0 : i32
      %dma_start3A_10 = tpu.memref_slice %arg4[%mul3A_2, %dma_start3A_9] : memref<4096x256xf32, #tpu.memory_space<hbm>> -> memref<128x256xf32, #tpu.memory_space<hbm>>
      tpu.enqueue_dma source(%arg6 : memref<128x256xf32, #tpu.memory_space<vmem>>) target(%dma_start3A_10 : memref<128x256xf32, #tpu.memory_space<hbm>>) target_semaphore(%run_scoped3A : memref<!tpu.dma_semaphore, #tpu.memory_space<semaphore_mem>>)
      %dma_wait3A_11 = arith.constant 0 : i32
      %dma_wait3A_12 = tpu.memref_slice %arg4[%mul3A_2, %dma_wait3A_11] : memref<4096x256xf32, #tpu.memory_space<hbm>> -> memref<128x256xf32, #tpu.memory_space<hbm>>
      %dma_wait3A_13 = arith.constant 0 : i32
      %dma_wait3A_14 = tpu.memref_slice %arg4[%mul3A_2, %dma_wait3A_13] : memref<4096x256xf32, #tpu.memory_space<hbm>> -> memref<128x256xf32, #tpu.memory_space<hbm>>
      tpu.wait_dma2 semaphore(%run_scoped3A : memref<!tpu.dma_semaphore, #tpu.memory_space<semaphore_mem>>) src(%arg6 : memref<128x256xf32, #tpu.memory_space<vmem>>) dst(%dma_wait3A_14 : memref<128x256xf32, #tpu.memory_space<hbm>>)
      tpu.yield
    }) : () -> ()
    return
  }
}

module attributes {stable_mosaic.version = 14 : i64} {
  func.func @_enc_argmin_body(%arg0: i32, %arg1: memref<1024x352xf32, #tpu.memory_space<vmem>>, %arg2: memref<352x1024xf32, #tpu.memory_space<vmem>>, %arg3: memref<1x1024xf32, #tpu.memory_space<vmem>>, %arg4: memref<1024x256xf32, #tpu.memory_space<vmem>>, %arg5: memref<1x256xf32, #tpu.memory_space<vmem>>, %arg6: memref<8192x256xf32, #tpu.memory_space<vmem>>, %arg7: memref<1024x1xi32, #tpu.memory_space<vmem>>, %arg8: memref<1x1xf32, #tpu.memory_space<vmem>>, %arg9: memref<8192x256xbf16, #tpu.memory_space<vmem>>, %arg10: memref<1x8192xf32, #tpu.memory_space<vmem>>) attributes {dimension_semantics = [#tpu.dimension_semantics<arbitrary>], iteration_bounds = array<i64: 4>, scalar_prefetch = 0 : i64, scratch_operands = 2 : i64, tpu.core_type = #tpu.core_type<tc>, window_params = [{transform_indices = @transform_0, window_bounds = array<i64: 1024, 352>}, {pipeline_mode = #tpu.pipeline_mode<synchronous>, transform_indices = @transform_1, window_bounds = array<i64: 352, 1024>}, {pipeline_mode = #tpu.pipeline_mode<synchronous>, transform_indices = @transform_2, window_bounds = array<i64: 1, 1024>}, {pipeline_mode = #tpu.pipeline_mode<synchronous>, transform_indices = @transform_3, window_bounds = array<i64: 1024, 256>}, {pipeline_mode = #tpu.pipeline_mode<synchronous>, transform_indices = @transform_4, window_bounds = array<i64: 1, 256>}, {pipeline_mode = #tpu.pipeline_mode<synchronous>, transform_indices = @transform_5, window_bounds = array<i64: 8192, 256>}, {transform_indices = @transform_6, window_bounds = array<i64: 1024, 1>}, {pipeline_mode = #tpu.pipeline_mode<synchronous>, transform_indices = @transform_7, window_bounds = array<i64: 1, 1>}]} {
    %eq3A = arith.constant 0 : i32
    %eq3A_0 = arith.cmpi eq, %arg0, %eq3A : i32
    %convert_element_type3A = arith.extui %eq3A_0 : i1 to i32
    %cond3A = arith.constant 0 : i32
    %cond3A_1 = arith.cmpi ne, %convert_element_type3A, %cond3A : i32
    scf.if %cond3A_1 {
      %get3A_279 = arith.constant 0 : index
      %get3A_280 = arith.constant 0 : index
      %get3A_281 = vector.load %arg6[%get3A_279, %get3A_280] : memref<8192x256xf32, #tpu.memory_space<vmem>>, vector<8192x256xf32>
      %mul3A_282 = arith.constant -2.000000e+00 : f32
      %mul3A_283 = vector.broadcast %mul3A_282 : f32 to vector<8192x256xf32>
      %mul3A_284 = arith.mulf %get3A_281, %mul3A_283 : vector<8192x256xf32>
      %convert_element_type3A_285 = arith.truncf %mul3A_284 : vector<8192x256xf32> to vector<8192x256xbf16>
      %swap3A_286 = arith.constant 0 : index
      %swap3A_287 = arith.constant 0 : index
      %swap3A_288 = vector.load %arg9[%swap3A_286, %swap3A_287] : memref<8192x256xbf16, #tpu.memory_space<vmem>>, vector<8192x256xbf16>
      tpu.vector_store %arg9[%swap3A_286, %swap3A_287], %convert_element_type3A_285 {strides = array<i32>} : memref<8192x256xbf16, #tpu.memory_space<vmem>>, vector<8192x256xbf16>,
      %broadcast_in_dim3A_289 = arith.constant 1.000000e+00 : f32
      %broadcast_in_dim3A_290 = vector.broadcast %broadcast_in_dim3A_289 : f32 to vector<1x256xf32>
      %mul3A_291 = arith.mulf %get3A_281, %get3A_281 : vector<8192x256xf32>
      %dot_general3A_292 = arith.constant dense<0.000000e+00> : vector<1x8192xf32>
      %dot_general3A_293 = tpu.matmul %broadcast_in_dim3A_290, %mul3A_291, %dot_general3A_292 {dimension_numbers = #tpu.dot_dimension_numbers<[1], [1], [0], [0], [0, 0, 1, 0], [], []>, precision = #tpu.contract_precision<fp32>, transpose_lhs_hint = false} : vector<1x256xf32>, vector<8192x256xf32>, vector<1x8192xf32> -> vector<1x8192xf32>
      %swap3A_294 = arith.constant 0 : index
      %swap3A_295 = arith.constant 0 : index
      %swap3A_296 = vector.load %arg10[%swap3A_294, %swap3A_295] : memref<1x8192xf32, #tpu.memory_space<vmem>>, vector<1x8192xf32>
      tpu.vector_store %arg10[%swap3A_294, %swap3A_295], %dot_general3A_293 {strides = array<i32>} : memref<1x8192xf32, #tpu.memory_space<vmem>>, vector<1x8192xf32>,
      %broadcast_in_dim3A_297 = arith.constant 0.000000e+00 : f32
      %broadcast_in_dim3A_298 = vector.broadcast %broadcast_in_dim3A_297 : f32 to vector<1x1xf32>
      %swap3A_299 = arith.constant 0 : index
      %swap3A_300 = arith.constant 0 : index
      %swap3A_301 = vector.load %arg8[%swap3A_299, %swap3A_300] : memref<1x1xf32, #tpu.memory_space<vmem>>, vector<1x1xf32>
      tpu.vector_store %arg8[%swap3A_299, %swap3A_300], %broadcast_in_dim3A_298 {strides = array<i32>} : memref<1x1xf32, #tpu.memory_space<vmem>>, vector<1x1xf32>,
    } else {
    }
    %get3A = arith.constant 0 : index
    %get3A_2 = arith.constant 0 : index
    %get3A_3 = vector.load %arg1[%get3A, %get3A_2] : memref<1024x352xf32, #tpu.memory_space<vmem>>, vector<1024x352xf32>
    %get3A_4 = arith.constant 0 : index
    %get3A_5 = arith.constant 0 : index
    %get3A_6 = vector.load %arg2[%get3A_4, %get3A_5] : memref<352x1024xf32, #tpu.memory_space<vmem>>, vector<352x1024xf32>
    %convert_element_type3A_7 = arith.truncf %get3A_3 : vector<1024x352xf32> to vector<1024x352xbf16>
    %convert_element_type3A_8 = arith.truncf %get3A_6 : vector<352x1024xf32> to vector<352x1024xbf16>
    %dot_general3A = arith.constant dense<0.000000e+00> : vector<1024x1024xf32>
    %dot_general3A_9 = tpu.matmul %convert_element_type3A_7, %convert_element_type3A_8, %dot_general3A {dimension_numbers = #tpu.dot_dimension_numbers<[1], [0], [0], [1], [0, 0, 1, 1], [], []>, transpose_lhs_hint = false} : vector<1024x352xbf16>, vector<352x1024xbf16>, vector<1024x1024xf32> -> vector<1024x1024xf32>
    %get3A_10 = arith.constant 0 : index
    %get3A_11 = arith.constant 0 : index
    %get3A_12 = vector.load %arg3[%get3A_10, %get3A_11] : memref<1x1024xf32, #tpu.memory_space<vmem>>, vector<1x1024xf32>
    %add3A = vector.broadcast %get3A_12 : vector<1x1024xf32> to vector<1024x1024xf32>
    %add3A_13 = arith.addf %dot_general3A_9, %add3A : vector<1024x1024xf32>
    %max3A = arith.constant 0.000000e+00 : f32
    %max3A_14 = vector.broadcast %max3A : f32 to vector<1024x1024xf32>
    %max3A_15 = arith.maximumf %add3A_13, %max3A_14 : vector<1024x1024xf32>
    %get3A_16 = arith.constant 0 : index
    %get3A_17 = arith.constant 0 : index
    %get3A_18 = vector.load %arg4[%get3A_16, %get3A_17] : memref<1024x256xf32, #tpu.memory_space<vmem>>, vector<1024x256xf32>
    %convert_element_type3A_19 = arith.truncf %max3A_15 : vector<1024x1024xf32> to vector<1024x1024xbf16>
    %convert_element_type3A_20 = arith.truncf %get3A_18 : vector<1024x256xf32> to vector<1024x256xbf16>
    %dot_general3A_21 = arith.constant dense<0.000000e+00> : vector<1024x256xf32>
    %dot_general3A_22 = tpu.matmul %convert_element_type3A_19, %convert_element_type3A_20, %dot_general3A_21 {dimension_numbers = #tpu.dot_dimension_numbers<[1], [0], [0], [1], [0, 0, 1, 1], [], []>, transpose_lhs_hint = false} : vector<1024x1024xbf16>, vector<1024x256xbf16>, vector<1024x256xf32> -> vector<1024x256xf32>
    %get3A_23 = arith.constant 0 : index
    %get3A_24 = arith.constant 0 : index
    %get3A_25 = vector.load %arg5[%get3A_23, %get3A_24] : memref<1x256xf32, #tpu.memory_space<vmem>>, vector<1x256xf32>
    %add3A_26 = vector.broadcast %get3A_25 : vector<1x256xf32> to vector<1024x256xf32>
    %add3A_27 = arith.addf %dot_general3A_22, %add3A_26 : vector<1024x256xf32>
    %convert_element_type3A_28 = arith.truncf %add3A_27 : vector<1024x256xf32> to vector<1024x256xbf16>
    %mul3A = arith.mulf %add3A_27, %add3A_27 : vector<1024x256xf32>
    %reduce_sum3A = arith.constant dense<0.000000e+00> : vector<1024xf32>
    %reduce_sum3A_29 = vector.multi_reduction <add>, %mul3A, %reduce_sum3A [1] : vector<1024x256xf32> to vector<1024xf32>
    %broadcast_in_dim3A = vector.shape_cast %reduce_sum3A_29 : vector<1024xf32> to vector<1024x1xf32>
    %iota3A = tpu.iota {dimensions = array<i32: 1>} : vector<1024x1024xi32>
    %convert_element_type3A_30 = arith.sitofp %iota3A : vector<1024x1024xi32> to vector<1024x1024xf32>
    %broadcast_in_dim3A_31 = arith.constant 0x7F800000 : f32
    %broadcast_in_dim3A_32 = vector.broadcast %broadcast_in_dim3A_31 : f32 to vector<1024x1xf32>
    %broadcast_in_dim3A_33 = arith.constant 0.000000e+00 : f32
    %broadcast_in_dim3A_34 = vector.broadcast %broadcast_in_dim3A_33 : f32 to vector<1024x1xf32>
    %get3A_35 = arith.constant 0 : index
    %get3A_36 = arith.constant 0 : index
    %get3A_37 = vector.load %arg9[%get3A_35, %get3A_36] : memref<8192x256xbf16, #tpu.memory_space<vmem>>, vector<1024x256xbf16>
    %dot_general3A_38 = arith.constant dense<0.000000e+00> : vector<1024x1024xf32>
    %dot_general3A_39 = tpu.matmul %convert_element_type3A_28, %get3A_37, %dot_general3A_38 {dimension_numbers = #tpu.dot_dimension_numbers<[1], [1], [0], [0], [0, 0, 1, 0], [], []>, transpose_lhs_hint = false} : vector<1024x256xbf16>, vector<1024x256xbf16>, vector<1024x1024xf32> -> vector<1024x1024xf32>
    %add3A_40 = vector.broadcast %broadcast_in_dim3A : vector<1024x1xf32> to vector<1024x1024xf32>
    %add3A_41 = arith.addf %add3A_40, %dot_general3A_39 : vector<1024x1024xf32>
    %get3A_42 = arith.constant 0 : index
    %get3A_43 = arith.constant 0 : index
    %get3A_44 = vector.load %arg10[%get3A_42, %get3A_43] : memref<1x8192xf32, #tpu.memory_space<vmem>>, vector<1x1024xf32>
    %add3A_45 = vector.broadcast %get3A_44 : vector<1x1024xf32> to vector<1024x1024xf32>
    %add3A_46 = arith.addf %add3A_41, %add3A_45 : vector<1024x1024xf32>
    %reduce_min3A = arith.constant dense<0x7F800000> : vector<1024xf32>
    %reduce_min3A_47 = vector.multi_reduction <minimumf>, %add3A_46, %reduce_min3A [1] : vector<1024x1024xf32> to vector<1024xf32>
    %broadcast_in_dim3A_48 = vector.shape_cast %reduce_min3A_47 : vector<1024xf32> to vector<1024x1xf32>
    %eq3A_49 = vector.broadcast %broadcast_in_dim3A_48 : vector<1024x1xf32> to vector<1024x1024xf32>
    %eq3A_50 = arith.cmpf oeq, %add3A_46, %eq3A_49 : vector<1024x1024xf32>
    %jit3A = arith.constant 1.024000e+03 : f32
    %broadcast_in_dim3A_51 = vector.broadcast %jit3A : f32 to vector<1024x1024xf32>
    %select_n3A = arith.select %eq3A_50, %convert_element_type3A_30, %broadcast_in_dim3A_51 : vector<1024x1024xi1>, vector<1024x1024xf32>
    %reduce_min3A_52 = arith.constant dense<0x7F800000> : vector<1024xf32>
    %reduce_min3A_53 = vector.multi_reduction <minimumf>, %select_n3A, %reduce_min3A_52 [1] : vector<1024x1024xf32> to vector<1024xf32>
    %broadcast_in_dim3A_54 = vector.shape_cast %reduce_min3A_53 : vector<1024xf32> to vector<1024x1xf32>
    %lt3A = arith.cmpf olt, %broadcast_in_dim3A_48, %broadcast_in_dim3A_32 : vector<1024x1xf32>
    %add3A_55 = arith.constant 0.000000e+00 : f32
    %add3A_56 = vector.broadcast %add3A_55 : f32 to vector<1024x1xf32>
    %add3A_57 = arith.addf %broadcast_in_dim3A_54, %add3A_56 : vector<1024x1xf32>
    %select_n3A_58 = arith.select %lt3A, %add3A_57, %broadcast_in_dim3A_34 : vector<1024x1xi1>, vector<1024x1xf32>
    %select_n3A_59 = arith.select %lt3A, %broadcast_in_dim3A_48, %broadcast_in_dim3A_32 : vector<1024x1xi1>, vector<1024x1xf32>
    %get3A_60 = arith.constant 1024 : index
    %get3A_61 = arith.constant 0 : index
    %get3A_62 = vector.load %arg9[%get3A_60, %get3A_61] : memref<8192x256xbf16, #tpu.memory_space<vmem>>, vector<1024x256xbf16>
    %dot_general3A_63 = arith.constant dense<0.000000e+00> : vector<1024x1024xf32>
    %dot_general3A_64 = tpu.matmul %convert_element_type3A_28, %get3A_62, %dot_general3A_63 {dimension_numbers = #tpu.dot_dimension_numbers<[1], [1], [0], [0], [0, 0, 1, 0], [], []>, transpose_lhs_hint = false} : vector<1024x256xbf16>, vector<1024x256xbf16>, vector<1024x1024xf32> -> vector<1024x1024xf32>
    %add3A_65 = vector.broadcast %broadcast_in_dim3A : vector<1024x1xf32> to vector<1024x1024xf32>
    %add3A_66 = arith.addf %add3A_65, %dot_general3A_64 : vector<1024x1024xf32>
    %get3A_67 = arith.constant 0 : index
    %get3A_68 = arith.constant 1024 : index
    %get3A_69 = vector.load %arg10[%get3A_67, %get3A_68] : memref<1x8192xf32, #tpu.memory_space<vmem>>, vector<1x1024xf32>
    %add3A_70 = vector.broadcast %get3A_69 : vector<1x1024xf32> to vector<1024x1024xf32>
    %add3A_71 = arith.addf %add3A_66, %add3A_70 : vector<1024x1024xf32>
    %reduce_min3A_72 = arith.constant dense<0x7F800000> : vector<1024xf32>
    %reduce_min3A_73 = vector.multi_reduction <minimumf>, %add3A_71, %reduce_min3A_72 [1] : vector<1024x1024xf32> to vector<1024xf32>
    %broadcast_in_dim3A_74 = vector.shape_cast %reduce_min3A_73 : vector<1024xf32> to vector<1024x1xf32>
    %eq3A_75 = vector.broadcast %broadcast_in_dim3A_74 : vector<1024x1xf32> to vector<1024x1024xf32>
    %eq3A_76 = arith.cmpf oeq, %add3A_71, %eq3A_75 : vector<1024x1024xf32>
    %jit3A_77 = arith.constant 1.024000e+03 : f32
    %broadcast_in_dim3A_78 = vector.broadcast %jit3A_77 : f32 to vector<1024x1024xf32>
    %select_n3A_79 = arith.select %eq3A_76, %convert_element_type3A_30, %broadcast_in_dim3A_78 : vector<1024x1024xi1>, vector<1024x1024xf32>
    %reduce_min3A_80 = arith.constant dense<0x7F800000> : vector<1024xf32>
    %reduce_min3A_81 = vector.multi_reduction <minimumf>, %select_n3A_79, %reduce_min3A_80 [1] : vector<1024x1024xf32> to vector<1024xf32>
    %broadcast_in_dim3A_82 = vector.shape_cast %reduce_min3A_81 : vector<1024xf32> to vector<1024x1xf32>
    %lt3A_83 = arith.cmpf olt, %broadcast_in_dim3A_74, %select_n3A_59 : vector<1024x1xf32>
    %add3A_84 = arith.constant 1.024000e+03 : f32
    %add3A_85 = vector.broadcast %add3A_84 : f32 to vector<1024x1xf32>
    %add3A_86 = arith.addf %broadcast_in_dim3A_82, %add3A_85 : vector<1024x1xf32>
    %select_n3A_87 = arith.select %lt3A_83, %add3A_86, %select_n3A_58 : vector<1024x1xi1>, vector<1024x1xf32>
    %select_n3A_88 = arith.select %lt3A_83, %broadcast_in_dim3A_74, %select_n3A_59 : vector<1024x1xi1>, vector<1024x1xf32>
    %get3A_89 = arith.constant 2048 : index
    %get3A_90 = arith.constant 0 : index
    %get3A_91 = vector.load %arg9[%get3A_89, %get3A_90] : memref<8192x256xbf16, #tpu.memory_space<vmem>>, vector<1024x256xbf16>
    %dot_general3A_92 = arith.constant dense<0.000000e+00> : vector<1024x1024xf32>
    %dot_general3A_93 = tpu.matmul %convert_element_type3A_28, %get3A_91, %dot_general3A_92 {dimension_numbers = #tpu.dot_dimension_numbers<[1], [1], [0], [0], [0, 0, 1, 0], [], []>, transpose_lhs_hint = false} : vector<1024x256xbf16>, vector<1024x256xbf16>, vector<1024x1024xf32> -> vector<1024x1024xf32>
    %add3A_94 = vector.broadcast %broadcast_in_dim3A : vector<1024x1xf32> to vector<1024x1024xf32>
    %add3A_95 = arith.addf %add3A_94, %dot_general3A_93 : vector<1024x1024xf32>
    %get3A_96 = arith.constant 0 : index
    %get3A_97 = arith.constant 2048 : index
    %get3A_98 = vector.load %arg10[%get3A_96, %get3A_97] : memref<1x8192xf32, #tpu.memory_space<vmem>>, vector<1x1024xf32>
    %add3A_99 = vector.broadcast %get3A_98 : vector<1x1024xf32> to vector<1024x1024xf32>
    %add3A_100 = arith.addf %add3A_95, %add3A_99 : vector<1024x1024xf32>
    %reduce_min3A_101 = arith.constant dense<0x7F800000> : vector<1024xf32>
    %reduce_min3A_102 = vector.multi_reduction <minimumf>, %add3A_100, %reduce_min3A_101 [1] : vector<1024x1024xf32> to vector<1024xf32>
    %broadcast_in_dim3A_103 = vector.shape_cast %reduce_min3A_102 : vector<1024xf32> to vector<1024x1xf32>
    %eq3A_104 = vector.broadcast %broadcast_in_dim3A_103 : vector<1024x1xf32> to vector<1024x1024xf32>
    %eq3A_105 = arith.cmpf oeq, %add3A_100, %eq3A_104 : vector<1024x1024xf32>
    %jit3A_106 = arith.constant 1.024000e+03 : f32
    %broadcast_in_dim3A_107 = vector.broadcast %jit3A_106 : f32 to vector<1024x1024xf32>
    %select_n3A_108 = arith.select %eq3A_105, %convert_element_type3A_30, %broadcast_in_dim3A_107 : vector<1024x1024xi1>, vector<1024x1024xf32>
    %reduce_min3A_109 = arith.constant dense<0x7F800000> : vector<1024xf32>
    %reduce_min3A_110 = vector.multi_reduction <minimumf>, %select_n3A_108, %reduce_min3A_109 [1] : vector<1024x1024xf32> to vector<1024xf32>
    %broadcast_in_dim3A_111 = vector.shape_cast %reduce_min3A_110 : vector<1024xf32> to vector<1024x1xf32>
    %lt3A_112 = arith.cmpf olt, %broadcast_in_dim3A_103, %select_n3A_88 : vector<1024x1xf32>
    %add3A_113 = arith.constant 2.048000e+03 : f32
    %add3A_114 = vector.broadcast %add3A_113 : f32 to vector<1024x1xf32>
    %add3A_115 = arith.addf %broadcast_in_dim3A_111, %add3A_114 : vector<1024x1xf32>
    %select_n3A_116 = arith.select %lt3A_112, %add3A_115, %select_n3A_87 : vector<1024x1xi1>, vector<1024x1xf32>
    %select_n3A_117 = arith.select %lt3A_112, %broadcast_in_dim3A_103, %select_n3A_88 : vector<1024x1xi1>, vector<1024x1xf32>
    %get3A_118 = arith.constant 3072 : index
    %get3A_119 = arith.constant 0 : index
    %get3A_120 = vector.load %arg9[%get3A_118, %get3A_119] : memref<8192x256xbf16, #tpu.memory_space<vmem>>, vector<1024x256xbf16>
    %dot_general3A_121 = arith.constant dense<0.000000e+00> : vector<1024x1024xf32>
    %dot_general3A_122 = tpu.matmul %convert_element_type3A_28, %get3A_120, %dot_general3A_121 {dimension_numbers = #tpu.dot_dimension_numbers<[1], [1], [0], [0], [0, 0, 1, 0], [], []>, transpose_lhs_hint = false} : vector<1024x256xbf16>, vector<1024x256xbf16>, vector<1024x1024xf32> -> vector<1024x1024xf32>
    %add3A_123 = vector.broadcast %broadcast_in_dim3A : vector<1024x1xf32> to vector<1024x1024xf32>
    %add3A_124 = arith.addf %add3A_123, %dot_general3A_122 : vector<1024x1024xf32>
    %get3A_125 = arith.constant 0 : index
    %get3A_126 = arith.constant 3072 : index
    %get3A_127 = vector.load %arg10[%get3A_125, %get3A_126] : memref<1x8192xf32, #tpu.memory_space<vmem>>, vector<1x1024xf32>
    %add3A_128 = vector.broadcast %get3A_127 : vector<1x1024xf32> to vector<1024x1024xf32>
    %add3A_129 = arith.addf %add3A_124, %add3A_128 : vector<1024x1024xf32>
    %reduce_min3A_130 = arith.constant dense<0x7F800000> : vector<1024xf32>
    %reduce_min3A_131 = vector.multi_reduction <minimumf>, %add3A_129, %reduce_min3A_130 [1] : vector<1024x1024xf32> to vector<1024xf32>
    %broadcast_in_dim3A_132 = vector.shape_cast %reduce_min3A_131 : vector<1024xf32> to vector<1024x1xf32>
    %eq3A_133 = vector.broadcast %broadcast_in_dim3A_132 : vector<1024x1xf32> to vector<1024x1024xf32>
    %eq3A_134 = arith.cmpf oeq, %add3A_129, %eq3A_133 : vector<1024x1024xf32>
    %jit3A_135 = arith.constant 1.024000e+03 : f32
    %broadcast_in_dim3A_136 = vector.broadcast %jit3A_135 : f32 to vector<1024x1024xf32>
    %select_n3A_137 = arith.select %eq3A_134, %convert_element_type3A_30, %broadcast_in_dim3A_136 : vector<1024x1024xi1>, vector<1024x1024xf32>
    %reduce_min3A_138 = arith.constant dense<0x7F800000> : vector<1024xf32>
    %reduce_min3A_139 = vector.multi_reduction <minimumf>, %select_n3A_137, %reduce_min3A_138 [1] : vector<1024x1024xf32> to vector<1024xf32>
    %broadcast_in_dim3A_140 = vector.shape_cast %reduce_min3A_139 : vector<1024xf32> to vector<1024x1xf32>
    %lt3A_141 = arith.cmpf olt, %broadcast_in_dim3A_132, %select_n3A_117 : vector<1024x1xf32>
    %add3A_142 = arith.constant 3.072000e+03 : f32
    %add3A_143 = vector.broadcast %add3A_142 : f32 to vector<1024x1xf32>
    %add3A_144 = arith.addf %broadcast_in_dim3A_140, %add3A_143 : vector<1024x1xf32>
    %select_n3A_145 = arith.select %lt3A_141, %add3A_144, %select_n3A_116 : vector<1024x1xi1>, vector<1024x1xf32>
    %select_n3A_146 = arith.select %lt3A_141, %broadcast_in_dim3A_132, %select_n3A_117 : vector<1024x1xi1>, vector<1024x1xf32>
    %get3A_147 = arith.constant 4096 : index
    %get3A_148 = arith.constant 0 : index
    %get3A_149 = vector.load %arg9[%get3A_147, %get3A_148] : memref<8192x256xbf16, #tpu.memory_space<vmem>>, vector<1024x256xbf16>
    %dot_general3A_150 = arith.constant dense<0.000000e+00> : vector<1024x1024xf32>
    %dot_general3A_151 = tpu.matmul %convert_element_type3A_28, %get3A_149, %dot_general3A_150 {dimension_numbers = #tpu.dot_dimension_numbers<[1], [1], [0], [0], [0, 0, 1, 0], [], []>, transpose_lhs_hint = false} : vector<1024x256xbf16>, vector<1024x256xbf16>, vector<1024x1024xf32> -> vector<1024x1024xf32>
    %add3A_152 = vector.broadcast %broadcast_in_dim3A : vector<1024x1xf32> to vector<1024x1024xf32>
    %add3A_153 = arith.addf %add3A_152, %dot_general3A_151 : vector<1024x1024xf32>
    %get3A_154 = arith.constant 0 : index
    %get3A_155 = arith.constant 4096 : index
    %get3A_156 = vector.load %arg10[%get3A_154, %get3A_155] : memref<1x8192xf32, #tpu.memory_space<vmem>>, vector<1x1024xf32>
    %add3A_157 = vector.broadcast %get3A_156 : vector<1x1024xf32> to vector<1024x1024xf32>
    %add3A_158 = arith.addf %add3A_153, %add3A_157 : vector<1024x1024xf32>
    %reduce_min3A_159 = arith.constant dense<0x7F800000> : vector<1024xf32>
    %reduce_min3A_160 = vector.multi_reduction <minimumf>, %add3A_158, %reduce_min3A_159 [1] : vector<1024x1024xf32> to vector<1024xf32>
    %broadcast_in_dim3A_161 = vector.shape_cast %reduce_min3A_160 : vector<1024xf32> to vector<1024x1xf32>
    %eq3A_162 = vector.broadcast %broadcast_in_dim3A_161 : vector<1024x1xf32> to vector<1024x1024xf32>
    %eq3A_163 = arith.cmpf oeq, %add3A_158, %eq3A_162 : vector<1024x1024xf32>
    %jit3A_164 = arith.constant 1.024000e+03 : f32
    %broadcast_in_dim3A_165 = vector.broadcast %jit3A_164 : f32 to vector<1024x1024xf32>
    %select_n3A_166 = arith.select %eq3A_163, %convert_element_type3A_30, %broadcast_in_dim3A_165 : vector<1024x1024xi1>, vector<1024x1024xf32>
    %reduce_min3A_167 = arith.constant dense<0x7F800000> : vector<1024xf32>
    %reduce_min3A_168 = vector.multi_reduction <minimumf>, %select_n3A_166, %reduce_min3A_167 [1] : vector<1024x1024xf32> to vector<1024xf32>
    %broadcast_in_dim3A_169 = vector.shape_cast %reduce_min3A_168 : vector<1024xf32> to vector<1024x1xf32>
    %lt3A_170 = arith.cmpf olt, %broadcast_in_dim3A_161, %select_n3A_146 : vector<1024x1xf32>
    %add3A_171 = arith.constant 4.096000e+03 : f32
    %add3A_172 = vector.broadcast %add3A_171 : f32 to vector<1024x1xf32>
    %add3A_173 = arith.addf %broadcast_in_dim3A_169, %add3A_172 : vector<1024x1xf32>
    %select_n3A_174 = arith.select %lt3A_170, %add3A_173, %select_n3A_145 : vector<1024x1xi1>, vector<1024x1xf32>
    %select_n3A_175 = arith.select %lt3A_170, %broadcast_in_dim3A_161, %select_n3A_146 : vector<1024x1xi1>, vector<1024x1xf32>
    %get3A_176 = arith.constant 5120 : index
    %get3A_177 = arith.constant 0 : index
    %get3A_178 = vector.load %arg9[%get3A_176, %get3A_177] : memref<8192x256xbf16, #tpu.memory_space<vmem>>, vector<1024x256xbf16>
    %dot_general3A_179 = arith.constant dense<0.000000e+00> : vector<1024x1024xf32>
    %dot_general3A_180 = tpu.matmul %convert_element_type3A_28, %get3A_178, %dot_general3A_179 {dimension_numbers = #tpu.dot_dimension_numbers<[1], [1], [0], [0], [0, 0, 1, 0], [], []>, transpose_lhs_hint = false} : vector<1024x256xbf16>, vector<1024x256xbf16>, vector<1024x1024xf32> -> vector<1024x1024xf32>
    %add3A_181 = vector.broadcast %broadcast_in_dim3A : vector<1024x1xf32> to vector<1024x1024xf32>
    %add3A_182 = arith.addf %add3A_181, %dot_general3A_180 : vector<1024x1024xf32>
    %get3A_183 = arith.constant 0 : index
    %get3A_184 = arith.constant 5120 : index
    %get3A_185 = vector.load %arg10[%get3A_183, %get3A_184] : memref<1x8192xf32, #tpu.memory_space<vmem>>, vector<1x1024xf32>
    %add3A_186 = vector.broadcast %get3A_185 : vector<1x1024xf32> to vector<1024x1024xf32>
    %add3A_187 = arith.addf %add3A_182, %add3A_186 : vector<1024x1024xf32>
    %reduce_min3A_188 = arith.constant dense<0x7F800000> : vector<1024xf32>
    %reduce_min3A_189 = vector.multi_reduction <minimumf>, %add3A_187, %reduce_min3A_188 [1] : vector<1024x1024xf32> to vector<1024xf32>
    %broadcast_in_dim3A_190 = vector.shape_cast %reduce_min3A_189 : vector<1024xf32> to vector<1024x1xf32>
    %eq3A_191 = vector.broadcast %broadcast_in_dim3A_190 : vector<1024x1xf32> to vector<1024x1024xf32>
    %eq3A_192 = arith.cmpf oeq, %add3A_187, %eq3A_191 : vector<1024x1024xf32>
    %jit3A_193 = arith.constant 1.024000e+03 : f32
    %broadcast_in_dim3A_194 = vector.broadcast %jit3A_193 : f32 to vector<1024x1024xf32>
    %select_n3A_195 = arith.select %eq3A_192, %convert_element_type3A_30, %broadcast_in_dim3A_194 : vector<1024x1024xi1>, vector<1024x1024xf32>
    %reduce_min3A_196 = arith.constant dense<0x7F800000> : vector<1024xf32>
    %reduce_min3A_197 = vector.multi_reduction <minimumf>, %select_n3A_195, %reduce_min3A_196 [1] : vector<1024x1024xf32> to vector<1024xf32>
    %broadcast_in_dim3A_198 = vector.shape_cast %reduce_min3A_197 : vector<1024xf32> to vector<1024x1xf32>
    %lt3A_199 = arith.cmpf olt, %broadcast_in_dim3A_190, %select_n3A_175 : vector<1024x1xf32>
    %add3A_200 = arith.constant 5.120000e+03 : f32
    %add3A_201 = vector.broadcast %add3A_200 : f32 to vector<1024x1xf32>
    %add3A_202 = arith.addf %broadcast_in_dim3A_198, %add3A_201 : vector<1024x1xf32>
    %select_n3A_203 = arith.select %lt3A_199, %add3A_202, %select_n3A_174 : vector<1024x1xi1>, vector<1024x1xf32>
    %select_n3A_204 = arith.select %lt3A_199, %broadcast_in_dim3A_190, %select_n3A_175 : vector<1024x1xi1>, vector<1024x1xf32>
    %get3A_205 = arith.constant 6144 : index
    %get3A_206 = arith.constant 0 : index
    %get3A_207 = vector.load %arg9[%get3A_205, %get3A_206] : memref<8192x256xbf16, #tpu.memory_space<vmem>>, vector<1024x256xbf16>
    %dot_general3A_208 = arith.constant dense<0.000000e+00> : vector<1024x1024xf32>
    %dot_general3A_209 = tpu.matmul %convert_element_type3A_28, %get3A_207, %dot_general3A_208 {dimension_numbers = #tpu.dot_dimension_numbers<[1], [1], [0], [0], [0, 0, 1, 0], [], []>, transpose_lhs_hint = false} : vector<1024x256xbf16>, vector<1024x256xbf16>, vector<1024x1024xf32> -> vector<1024x1024xf32>
    %add3A_210 = vector.broadcast %broadcast_in_dim3A : vector<1024x1xf32> to vector<1024x1024xf32>
    %add3A_211 = arith.addf %add3A_210, %dot_general3A_209 : vector<1024x1024xf32>
    %get3A_212 = arith.constant 0 : index
    %get3A_213 = arith.constant 6144 : index
    %get3A_214 = vector.load %arg10[%get3A_212, %get3A_213] : memref<1x8192xf32, #tpu.memory_space<vmem>>, vector<1x1024xf32>
    %add3A_215 = vector.broadcast %get3A_214 : vector<1x1024xf32> to vector<1024x1024xf32>
    %add3A_216 = arith.addf %add3A_211, %add3A_215 : vector<1024x1024xf32>
    %reduce_min3A_217 = arith.constant dense<0x7F800000> : vector<1024xf32>
    %reduce_min3A_218 = vector.multi_reduction <minimumf>, %add3A_216, %reduce_min3A_217 [1] : vector<1024x1024xf32> to vector<1024xf32>
    %broadcast_in_dim3A_219 = vector.shape_cast %reduce_min3A_218 : vector<1024xf32> to vector<1024x1xf32>
    %eq3A_220 = vector.broadcast %broadcast_in_dim3A_219 : vector<1024x1xf32> to vector<1024x1024xf32>
    %eq3A_221 = arith.cmpf oeq, %add3A_216, %eq3A_220 : vector<1024x1024xf32>
    %jit3A_222 = arith.constant 1.024000e+03 : f32
    %broadcast_in_dim3A_223 = vector.broadcast %jit3A_222 : f32 to vector<1024x1024xf32>
    %select_n3A_224 = arith.select %eq3A_221, %convert_element_type3A_30, %broadcast_in_dim3A_223 : vector<1024x1024xi1>, vector<1024x1024xf32>
    %reduce_min3A_225 = arith.constant dense<0x7F800000> : vector<1024xf32>
    %reduce_min3A_226 = vector.multi_reduction <minimumf>, %select_n3A_224, %reduce_min3A_225 [1] : vector<1024x1024xf32> to vector<1024xf32>
    %broadcast_in_dim3A_227 = vector.shape_cast %reduce_min3A_226 : vector<1024xf32> to vector<1024x1xf32>
    %lt3A_228 = arith.cmpf olt, %broadcast_in_dim3A_219, %select_n3A_204 : vector<1024x1xf32>
    %add3A_229 = arith.constant 6.144000e+03 : f32
    %add3A_230 = vector.broadcast %add3A_229 : f32 to vector<1024x1xf32>
    %add3A_231 = arith.addf %broadcast_in_dim3A_227, %add3A_230 : vector<1024x1xf32>
    %select_n3A_232 = arith.select %lt3A_228, %add3A_231, %select_n3A_203 : vector<1024x1xi1>, vector<1024x1xf32>
    %select_n3A_233 = arith.select %lt3A_228, %broadcast_in_dim3A_219, %select_n3A_204 : vector<1024x1xi1>, vector<1024x1xf32>
    %get3A_234 = arith.constant 7168 : index
    %get3A_235 = arith.constant 0 : index
    %get3A_236 = vector.load %arg9[%get3A_234, %get3A_235] : memref<8192x256xbf16, #tpu.memory_space<vmem>>, vector<1024x256xbf16>
    %dot_general3A_237 = arith.constant dense<0.000000e+00> : vector<1024x1024xf32>
    %dot_general3A_238 = tpu.matmul %convert_element_type3A_28, %get3A_236, %dot_general3A_237 {dimension_numbers = #tpu.dot_dimension_numbers<[1], [1], [0], [0], [0, 0, 1, 0], [], []>, transpose_lhs_hint = false} : vector<1024x256xbf16>, vector<1024x256xbf16>, vector<1024x1024xf32> -> vector<1024x1024xf32>
    %add3A_239 = vector.broadcast %broadcast_in_dim3A : vector<1024x1xf32> to vector<1024x1024xf32>
    %add3A_240 = arith.addf %add3A_239, %dot_general3A_238 : vector<1024x1024xf32>
    %get3A_241 = arith.constant 0 : index
    %get3A_242 = arith.constant 7168 : index
    %get3A_243 = vector.load %arg10[%get3A_241, %get3A_242] : memref<1x8192xf32, #tpu.memory_space<vmem>>, vector<1x1024xf32>
    %add3A_244 = vector.broadcast %get3A_243 : vector<1x1024xf32> to vector<1024x1024xf32>
    %add3A_245 = arith.addf %add3A_240, %add3A_244 : vector<1024x1024xf32>
    %reduce_min3A_246 = arith.constant dense<0x7F800000> : vector<1024xf32>
    %reduce_min3A_247 = vector.multi_reduction <minimumf>, %add3A_245, %reduce_min3A_246 [1] : vector<1024x1024xf32> to vector<1024xf32>
    %broadcast_in_dim3A_248 = vector.shape_cast %reduce_min3A_247 : vector<1024xf32> to vector<1024x1xf32>
    %eq3A_249 = vector.broadcast %broadcast_in_dim3A_248 : vector<1024x1xf32> to vector<1024x1024xf32>
    %eq3A_250 = arith.cmpf oeq, %add3A_245, %eq3A_249 : vector<1024x1024xf32>
    %jit3A_251 = arith.constant 1.024000e+03 : f32
    %broadcast_in_dim3A_252 = vector.broadcast %jit3A_251 : f32 to vector<1024x1024xf32>
    %select_n3A_253 = arith.select %eq3A_250, %convert_element_type3A_30, %broadcast_in_dim3A_252 : vector<1024x1024xi1>, vector<1024x1024xf32>
    %reduce_min3A_254 = arith.constant dense<0x7F800000> : vector<1024xf32>
    %reduce_min3A_255 = vector.multi_reduction <minimumf>, %select_n3A_253, %reduce_min3A_254 [1] : vector<1024x1024xf32> to vector<1024xf32>
    %broadcast_in_dim3A_256 = vector.shape_cast %reduce_min3A_255 : vector<1024xf32> to vector<1024x1xf32>
    %lt3A_257 = arith.cmpf olt, %broadcast_in_dim3A_248, %select_n3A_233 : vector<1024x1xf32>
    %add3A_258 = arith.constant 7.168000e+03 : f32
    %add3A_259 = vector.broadcast %add3A_258 : f32 to vector<1024x1xf32>
    %add3A_260 = arith.addf %broadcast_in_dim3A_256, %add3A_259 : vector<1024x1xf32>
    %select_n3A_261 = arith.select %lt3A_257, %add3A_260, %select_n3A_232 : vector<1024x1xi1>, vector<1024x1xf32>
    %select_n3A_262 = arith.select %lt3A_257, %broadcast_in_dim3A_248, %select_n3A_233 : vector<1024x1xi1>, vector<1024x1xf32>
    %convert_element_type3A_263 = arith.fptosi %select_n3A_261 : vector<1024x1xf32> to vector<1024x1xi32>
    %swap3A = arith.constant 0 : index
    %swap3A_264 = arith.constant 0 : index
    %swap3A_265 = vector.load %arg7[%swap3A, %swap3A_264] : memref<1024x1xi32, #tpu.memory_space<vmem>>, vector<1024x1xi32>
    tpu.vector_store %arg7[%swap3A, %swap3A_264], %convert_element_type3A_263 {strides = array<i32>} : memref<1024x1xi32, #tpu.memory_space<vmem>>, vector<1024x1xi32>,
    %get3A_266 = arith.constant 0 : index
    %get3A_267 = arith.constant 0 : index
    %get3A_268 = vector.load %arg8[%get3A_266, %get3A_267] : memref<1x1xf32, #tpu.memory_space<vmem>>, vector<1x1xf32>
    %reduce_sum3A_269 = vector.shape_cast %select_n3A_262 : vector<1024x1xf32> to vector<1x1024x1xf32>
    %reduce_sum3A_270 = arith.constant dense<0.000000e+00> : vector<1xf32>
    %reduce_sum3A_271 = vector.multi_reduction <add>, %reduce_sum3A_269, %reduce_sum3A_270 [1, 2] : vector<1x1024x1xf32> to vector<1xf32>
    %reduce_sum3A_272 = vector.shape_cast %reduce_sum3A_271 : vector<1xf32> to vector<1x1x1xf32>
    %reduce_sum3A_273 = vector.extract %reduce_sum3A_272[0, 0, 0] : f32 from vector<1x1x1xf32>
    %add3A_274 = vector.broadcast %reduce_sum3A_273 : f32 to vector<1x1xf32>
    %add3A_275 = arith.addf %get3A_268, %add3A_274 : vector<1x1xf32>
    %swap3A_276 = arith.constant 0 : index
    %swap3A_277 = arith.constant 0 : index
    %swap3A_278 = vector.load %arg8[%swap3A_276, %swap3A_277] : memref<1x1xf32, #tpu.memory_space<vmem>>, vector<1x1xf32>
    tpu.vector_store %arg8[%swap3A_276, %swap3A_277], %add3A_275 {strides = array<i32>} : memref<1x1xf32, #tpu.memory_space<vmem>>, vector<1x1xf32>,
    return
  }
  func.func @transform_0(%arg0: i32) -> (i32, i32) {
    %c0_i32 = arith.constant 0 : i32
    %c0_i32_0 = arith.constant 0 : i32
    return %arg0, %c0_i32 : i32, i32
  }
  func.func @transform_1(%arg0: i32) -> (i32, i32) {
    %c0_i32 = arith.constant 0 : i32
    %c0_i32_0 = arith.constant 0 : i32
    %c0_i32_1 = arith.constant 0 : i32
    return %c0_i32, %c0_i32_0 : i32, i32
  }
  func.func @transform_2(%arg0: i32) -> (i32, i32) {
    %c0_i32 = arith.constant 0 : i32
    %c0_i32_0 = arith.constant 0 : i32
    %c0_i32_1 = arith.constant 0 : i32
    return %c0_i32, %c0_i32_0 : i32, i32
  }
  func.func @transform_3(%arg0: i32) -> (i32, i32) {
    %c0_i32 = arith.constant 0 : i32
    %c0_i32_0 = arith.constant 0 : i32
    %c0_i32_1 = arith.constant 0 : i32
    return %c0_i32, %c0_i32_0 : i32, i32
  }
  func.func @transform_4(%arg0: i32) -> (i32, i32) {
    %c0_i32 = arith.constant 0 : i32
    %c0_i32_0 = arith.constant 0 : i32
    %c0_i32_1 = arith.constant 0 : i32
    return %c0_i32, %c0_i32_0 : i32, i32
  }
  func.func @transform_5(%arg0: i32) -> (i32, i32) {
    %c0_i32 = arith.constant 0 : i32
    %c0_i32_0 = arith.constant 0 : i32
    %c0_i32_1 = arith.constant 0 : i32
    return %c0_i32, %c0_i32_0 : i32, i32
  }
  func.func @transform_6(%arg0: i32) -> (i32, i32) {
    %c0_i32 = arith.constant 0 : i32
    %c0_i32_0 = arith.constant 0 : i32
    return %arg0, %c0_i32 : i32, i32
  }
  func.func @transform_7(%arg0: i32) -> (i32, i32) {
    %c0_i32 = arith.constant 0 : i32
    %c0_i32_0 = arith.constant 0 : i32
    %c0_i32_1 = arith.constant 0 : i32
    return %c0_i32, %c0_i32_0 : i32, i32
  }
}

module attributes {stable_mosaic.version = 14 : i64} {
  func.func @_decoder_body(%arg0: i32, %arg1: memref<1024x256xf32, #tpu.memory_space<vmem>>, %arg2: memref<256x1024xf32, #tpu.memory_space<vmem>>, %arg3: memref<1x1024xf32, #tpu.memory_space<vmem>>, %arg4: memref<1024x352xf32, #tpu.memory_space<vmem>>, %arg5: memref<1x352xf32, #tpu.memory_space<vmem>>, %arg6: memref<1024x352xf32, #tpu.memory_space<vmem>>) attributes {dimension_semantics = [#tpu.dimension_semantics<arbitrary>], iteration_bounds = array<i64: 4>, scalar_prefetch = 0 : i64, scratch_operands = 0 : i64, tpu.core_type = #tpu.core_type<tc>, window_params = [{transform_indices = @transform_0, window_bounds = array<i64: 1024, 256>}, {pipeline_mode = #tpu.pipeline_mode<synchronous>, transform_indices = @transform_1, window_bounds = array<i64: 256, 1024>}, {pipeline_mode = #tpu.pipeline_mode<synchronous>, transform_indices = @transform_2, window_bounds = array<i64: 1, 1024>}, {pipeline_mode = #tpu.pipeline_mode<synchronous>, transform_indices = @transform_3, window_bounds = array<i64: 1024, 352>}, {pipeline_mode = #tpu.pipeline_mode<synchronous>, transform_indices = @transform_4, window_bounds = array<i64: 1, 352>}, {transform_indices = @transform_5, window_bounds = array<i64: 1024, 352>}]} {
    %get3A = arith.constant 0 : index
    %get3A_0 = arith.constant 0 : index
    %get3A_1 = vector.load %arg1[%get3A, %get3A_0] : memref<1024x256xf32, #tpu.memory_space<vmem>>, vector<1024x256xf32>
    %get3A_2 = arith.constant 0 : index
    %get3A_3 = arith.constant 0 : index
    %get3A_4 = vector.load %arg2[%get3A_2, %get3A_3] : memref<256x1024xf32, #tpu.memory_space<vmem>>, vector<256x1024xf32>
    %convert_element_type3A = arith.truncf %get3A_1 : vector<1024x256xf32> to vector<1024x256xbf16>
    %convert_element_type3A_5 = arith.truncf %get3A_4 : vector<256x1024xf32> to vector<256x1024xbf16>
    %dot_general3A = arith.constant dense<0.000000e+00> : vector<1024x1024xf32>
    %dot_general3A_6 = tpu.matmul %convert_element_type3A, %convert_element_type3A_5, %dot_general3A {dimension_numbers = #tpu.dot_dimension_numbers<[1], [0], [0], [1], [0, 0, 1, 1], [], []>, transpose_lhs_hint = false} : vector<1024x256xbf16>, vector<256x1024xbf16>, vector<1024x1024xf32> -> vector<1024x1024xf32>
    %get3A_7 = arith.constant 0 : index
    %get3A_8 = arith.constant 0 : index
    %get3A_9 = vector.load %arg3[%get3A_7, %get3A_8] : memref<1x1024xf32, #tpu.memory_space<vmem>>, vector<1x1024xf32>
    %add3A = vector.broadcast %get3A_9 : vector<1x1024xf32> to vector<1024x1024xf32>
    %add3A_10 = arith.addf %dot_general3A_6, %add3A : vector<1024x1024xf32>
    %max3A = arith.constant 0.000000e+00 : f32
    %max3A_11 = vector.broadcast %max3A : f32 to vector<1024x1024xf32>
    %max3A_12 = arith.maximumf %add3A_10, %max3A_11 : vector<1024x1024xf32>
    %get3A_13 = arith.constant 0 : index
    %get3A_14 = arith.constant 0 : index
    %get3A_15 = vector.load %arg4[%get3A_13, %get3A_14] : memref<1024x352xf32, #tpu.memory_space<vmem>>, vector<1024x352xf32>
    %convert_element_type3A_16 = arith.truncf %max3A_12 : vector<1024x1024xf32> to vector<1024x1024xbf16>
    %convert_element_type3A_17 = arith.truncf %get3A_15 : vector<1024x352xf32> to vector<1024x352xbf16>
    %dot_general3A_18 = arith.constant dense<0.000000e+00> : vector<1024x352xf32>
    %dot_general3A_19 = tpu.matmul %convert_element_type3A_16, %convert_element_type3A_17, %dot_general3A_18 {dimension_numbers = #tpu.dot_dimension_numbers<[1], [0], [0], [1], [0, 0, 1, 1], [], []>, transpose_lhs_hint = false} : vector<1024x1024xbf16>, vector<1024x352xbf16>, vector<1024x352xf32> -> vector<1024x352xf32>
    %get3A_20 = arith.constant 0 : index
    %get3A_21 = arith.constant 0 : index
    %get3A_22 = vector.load %arg5[%get3A_20, %get3A_21] : memref<1x352xf32, #tpu.memory_space<vmem>>, vector<1x352xf32>
    %add3A_23 = vector.broadcast %get3A_22 : vector<1x352xf32> to vector<1024x352xf32>
    %add3A_24 = arith.addf %dot_general3A_19, %add3A_23 : vector<1024x352xf32>
    %swap3A = arith.constant 0 : index
    %swap3A_25 = arith.constant 0 : index
    %swap3A_26 = vector.load %arg6[%swap3A, %swap3A_25] : memref<1024x352xf32, #tpu.memory_space<vmem>>, vector<1024x352xf32>
    tpu.vector_store %arg6[%swap3A, %swap3A_25], %add3A_24 {strides = array<i32>} : memref<1024x352xf32, #tpu.memory_space<vmem>>, vector<1024x352xf32>,
    return
  }
  func.func @transform_0(%arg0: i32) -> (i32, i32) {
    %c0_i32 = arith.constant 0 : i32
    %c0_i32_0 = arith.constant 0 : i32
    return %arg0, %c0_i32 : i32, i32
  }
  func.func @transform_1(%arg0: i32) -> (i32, i32) {
    %c0_i32 = arith.constant 0 : i32
    %c0_i32_0 = arith.constant 0 : i32
    %c0_i32_1 = arith.constant 0 : i32
    return %c0_i32, %c0_i32_0 : i32, i32
  }
  func.func @transform_2(%arg0: i32) -> (i32, i32) {
    %c0_i32 = arith.constant 0 : i32
    %c0_i32_0 = arith.constant 0 : i32
    %c0_i32_1 = arith.constant 0 : i32
    return %c0_i32, %c0_i32_0 : i32, i32
  }
  func.func @transform_3(%arg0: i32) -> (i32, i32) {
    %c0_i32 = arith.constant 0 : i32
    %c0_i32_0 = arith.constant 0 : i32
    %c0_i32_1 = arith.constant 0 : i32
    return %c0_i32, %c0_i32_0 : i32, i32
  }
  func.func @transform_4(%arg0: i32) -> (i32, i32) {
    %c0_i32 = arith.constant 0 : i32
    %c0_i32_0 = arith.constant 0 : i32
    %c0_i32_1 = arith.constant 0 : i32
    return %c0_i32, %c0_i32_0 : i32, i32
  }
  func.func @transform_5(%arg0: i32) -> (i32, i32) {
    %c0_i32 = arith.constant 0 : i32
    %c0_i32_0 = arith.constant 0 : i32
    return %arg0, %c0_i32 : i32, i32
  }
}

</mosaic_0001>

<sc_bundles>
// kernel: kernel.5.cloned.1.call-start
scs
__scs_entry_jumppad:
0x0: {  	(pc) =	sbr.rel $0x88, $3  }
0x1: {  	(tag) =	ssettag $0x0;
	lr =	simm.s32 $0x1  }
0x2: {  	[smem:$0x3F97] =	sst lr;
	_ =	strace $0xD0000000  }
0x3: {  	_ = 	snop  }
0x4: {  	_ = 	snop  }
0x5: {  	_ = 	snop  }
0x6: {  	_ = 	snop  }
0x7: {  	_ = 	snop  }
__scs_overlays_trampoline_lowered:
0x8: {  	[smem:$0x3FA6] =	sst s0  }
0x9: {  	[smem:$0x3FA7] =	sst s1  }
0xa: {  	[smem:$0x3FA8] =	sst s2  }
0xb: {  	[smem:$0x3FA9] =	sst s3  }
0xc: {  	[smem:$0x3FAA] =	sst s4  }
0xd: {  	[smem:$0x3FAB] =	sst s5  }
0xe: {  	[smem:$0x3FAC] =	sst s6  }
0xf: {  	[smem:$0x3FAD] =	sst s7  }
0x10: {  	[smem:$0x3FAE] =	sst s8  }
0x11: {  	[smem:$0x3FAF] =	sst s9;
	s0 =	simm.s32 @!p0 $0x0  }
0x12: {  	s1 =	sld [smem:$0x3F95];
	s0 =	simm.s32 @p0 $0x1  }
0x13: {  	[smem:$0x3FB0] =	sst s0;
	s0 =	simm.s32 @!p1 $0x0  }
0x14: {  	s2 =	sld [smem:$0x3F94];
	s0 =	simm.s32 @p1 $0x1  }
0x15: {  	[smem:$0x3FB1] =	sst s0;
	s0 =	simm.s32 @!p2 $0x0  }
0x16: {  	s3 =	sld [smem:$0x3FDB];
	s0 =	simm.s32 @p2 $0x1  }
0x17: {  	s4 =	simm.s32 $0x1BF5;
	[smem:$0x3FB3] =	sst s0  }
0x18: {  	s0 =	sld [smem:$0x3F96];
	_ =	swait.ge [sflag:s4], $0x0  }
0x19: {  	s7 =	sld [smem:$0x3F97]  }
0x1a: {  	s8 =	sadd.s32 $0xFFFFE003, lr  }
0x1b: {  	s9 =	sadd.s32 $0xFFFFFEF7, lr;
	s5 =	simm.s32 $0xFFFFFFFF;
	p2 =	slt.u32 s8, $0xFFFFF086  }
0x1c: {  	p1 =	slt.u32 s9, $0xF7A;
	s5 =	simm.s32 @!p2 $0x0  }
0x1d: {  	s5 =	simm.s32 @p1 $0x1;
	p0 =	seq.s32 s7, s2  }
0x1e: {  	s7 =	smul.u32 @!p0 $0xF7A, s2;
	p2 =	seq.s32 @!p0 s5, $0x0  }
0x1f: {  	s9 =	smul.u32 $0xF7A, s1;
	s8 =	simm.s32 @!p0 $0x1BF5;
	p2 =	por !p2, p0  }
0x20: {  	[sflag:s8] =	ssyncset.s32 @!p0 $0xFFFFF086;
	s6 =	sadd.s32 @!p0 s3, s7;
	s7 =	simm.s32 @!p0 $0x108  }
0x21: {  	s3 =	sadd.s32 s3, s9;
	s6 =	sadd.s32 @!p0 $0x88, s6;
	s7 =	simm.s32 @p2 $0x1082  }
0x22: {  	[simem:s7], [sflag:s8] =	dma.local @!p0 [hbm:s6], $0xF7A  }
0x23: {  	s9 =	sor.u32 $0xD0000000, s2;
	s6 =	simm.s32 $0x108;
	_ =	swait.ge @!p0 [sflag:s8], $0x0  }
0x24: {  	s3 =	sadd.s32 $0x88, s3;
	s6 =	simm.s32 @!p1 $0x1082;
	[sflag:s4] =	ssyncset.s32 $0xFFFFF086  }
0x25: {  	[simem:s6], [sflag:s4] =	dma.local [hbm:s3], $0xF7A  }
0x26: {  	[smem:$0x3F97] =	sst s1;
	(tag) =	ssettag s2;
	_ =	strace s9  }
0x27: {  	s1 =	sld [smem:$0x3FA7]  }
0x28: {  	s2 =	sld [smem:$0x3FA8]  }
0x29: {  	s4 =	sld [smem:$0x3FAA]  }
0x2a: {  	p0 =	seq.s32 s5, $0x0;
	s5 =	sld [smem:$0x3FAB]  }
0x2b: {  	s6 =	sld [smem:$0x3FAC]  }
0x2c: {  	s7 =	sld [smem:$0x3FAD]  }
0x2d: {  	s3 =	simm.s32 $0x108;
	s8 =	sld [smem:$0x3FAE]  }
0x2e: {  	s3 =	simm.s32 @!p0 $0x1082;
	s9 =	sld [smem:$0x3FAF]  }
0x2f: {  	lr =	sadd.s32 s0, s3;
	s0 =	sld [smem:$0x3FA6]  }
0x30: {  	s3 =	sld [smem:$0x3FA9]  }
0x31: {  	[smem:$0x3FB2] =	sst s10  }
0x32: {  	s10 =	sld [smem:$0x3FB0];
	_ =	sdelay $0x3  }
0x33: {  	p0 =	seq.s32 s10, $0x1;
	s10 =	sld [smem:$0x3FB2];
	_ =	sdelay $0x3  }
0x34: {  	[smem:$0x3FB2] =	sst s10  }
0x35: {  	s10 =	sld [smem:$0x3FB1];
	_ =	sdelay $0x3  }
0x36: {  	p1 =	seq.s32 s10, $0x1;
	s10 =	sld [smem:$0x3FB2];
	_ =	sdelay $0x3  }
0x37: {  	[smem:$0x3FB2] =	sst s10  }
0x38: {  	s10 =	sld [smem:$0x3FB3]  }
0x39: {  	_ = 	snop;
	(pc) =	sbr.ind lr, $3  }
0x3a: {  	_ = 	snop  }
0x3b: {  	_ = 	snop  }
0x3c: {  	p2 =	seq.s32 s10, $0x1;
	s10 =	sld [smem:$0x3FB2]  }
0x3d: {  	_ =	shalt  }
0x3e: {  	_ =	shalt  }
0x3f: {  	_ =	shalt  }
0x40: {  	_ =	shalt  }
0x41: {  	_ =	shalt  }
0x42: {  	_ =	shalt  }
0x43: {  	_ =	shalt  }
0x44: {  	_ =	shalt  }
0x45: {  	_ =	shalt  }
0x46: {  	_ =	shalt  }
0x47: {  	_ =	shalt  }
0x48: {  	_ =	shalt  }
0x49: {  	_ =	shalt  }
0x4a: {  	_ =	shalt  }
0x4b: {  	_ =	shalt  }
0x4c: {  	_ =	shalt  }
0x4d: {  	_ =	shalt  }
0x4e: {  	_ =	shalt  }
0x4f: {  	_ =	shalt  }
0x50: {  	_ =	shalt  }
0x51: {  	_ =	shalt  }
0x52: {  	_ =	shalt  }
0x53: {  	_ =	shalt  }
0x54: {  	_ =	shalt  }
0x55: {  	_ =	shalt  }
0x56: {  	_ =	shalt  }
0x57: {  	_ =	shalt  }
0x58: {  	_ =	shalt  }
0x59: {  	_ =	shalt  }
0x5a: {  	_ =	shalt  }
0x5b: {  	_ =	shalt  }
0x5c: {  	_ =	shalt  }
0x5d: {  	_ =	shalt  }
0x5e: {  	_ =	shalt  }
0x5f: {  	_ =	shalt  }
0x60: {  	_ =	shalt  }
0x61: {  	_ =	shalt  }
0x62: {  	_ =	shalt  }
0x63: {  	_ =	shalt  }
0x64: {  	_ =	shalt  }
0x65: {  	_ =	shalt  }
0x66: {  	_ =	shalt  }
0x67: {  	_ =	shalt  }
0x68: {  	_ =	shalt  }
0x69: {  	_ =	shalt  }
0x6a: {  	_ =	shalt  }
0x6b: {  	_ =	shalt  }
0x6c: {  	_ =	shalt  }
0x6d: {  	_ =	shalt  }
0x6e: {  	_ =	shalt  }
0x6f: {  	_ =	shalt  }
0x70: {  	_ =	shalt  }
0x71: {  	_ =	shalt  }
0x72: {  	_ =	shalt  }
0x73: {  	_ =	shalt  }
0x74: {  	_ =	shalt  }
0x75: {  	_ =	shalt  }
0x76: {  	_ =	shalt  }
0x77: {  	_ =	shalt  }
0x78: {  	_ =	shalt  }
0x79: {  	_ =	shalt  }
0x7a: {  	_ =	shalt  }
0x7b: {  	_ =	shalt  }
0x7c: {  	_ =	shalt  }
0x7d: {  	_ =	shalt  }
0x7e: {  	_ =	shalt  }
0x7f: {  	_ =	shalt  }
0x80: {  	_ =	shalt  }
0x81: {  	_ =	shalt  }
0x82: {  	_ =	shalt  }
0x83: {  	_ =	shalt  }
0x84: {  	_ =	shalt  }
0x85: {  	_ =	shalt  }
0x86: {  	_ =	shalt  }
0x87: {  	_ =	shalt  }
.Lfunc_end0:
.L_simem_size_0:
called_computation_lowered:
.L_overlay_start_0:
0x88: {  	s2 =	sld [smem:$0x3FD9]  }
0x89: {  	s3 =	sld [smem:$0x3FFE];
	_ =	sdelay $0x1  }
0x8a: {  	s1 =	srdreg.scid  }
0x8b: {  	s0 =	sand.u32 $0x1, s1  }
0x8c: {  	s14 =	sshll.u32 s0, $0xA;
	s2 =	sadd.s32 s3, s2  }
0x8d: {  	s2 =	sadd.s32 s2, s14  }
0x8e: {  	[smem:$0x3FBE] =	sst s2  }
0x8f: {  	_ = 	snop  }
0x90: {  	s2 =	sld [smem:$0x3FD0];
	_ =	sdelay $0x2  }
0x91: {  	s4 =	simm.s32 $0xA;
	s5 =	simm.s32 $0x10;
	s15 =	sld [smem:$0x3FC4]  }
0x92: {  	[smem:s5], [sflag:s4] =	dma.local [hbm:s2], $0x1  }
0x93: {  	_ =	swait.eq [sflag:s4], $0x1  }
0x94: {  	[sflag:s4] =	ssyncset.done $0x0  }
0x95: {  	[sflag:s4] =	ssyncadd.s32 $0xFFFFFFFF  }
0x96: {  	s16 =	sld [smem:$0x10];
	(tm) =	ssettm $0x1  }
0x97: {  	s17 =	sld [smem:$0x3FFB];
	_ =	sdelay $0x3  }
0x98: {  	_ =	strace s17  }
0x99: {  	s4 =	sld [smem:$0x3FFC];
	_ =	sdelay $0x3  }
0x9a: {  	_ =	strace s4  }
0x9b: {  	s4 =	sld [smem:$0x3FFD];
	_ =	sdelay $0x3  }
0x9c: {  	_ =	strace s4  }
0x9d: {  	_ =	strace $0x8FFFFFFF  }
0x9e: {  	s18 =	sld [smem:$0x3FDB];
	_ =	sdelay $0x1  }
0x9f: {  	s19 =	simm.s32 $_scs_section_size  }
0xa0: {  	s6 =	simm.s32 $_size__tile_overlayer_lowered;
	s7 =	simm.s32 $_tile_overlayer_lowered  }
0xa1: {  	s22 =	simm.s32 $0x1BFF;
	s21 =	sshll.u32 s7, $0x1;
	s4 =	sadd.s32 s19, s18  }
0xa2: {  	s8 =	simm.s32 $0x0;
	s20 =	sshll.u32 s6, $0x1;
	s6 =	sadd.s32 s21, s4  }
0xa3: {  	[timem:s8], [sflag:s22] =	dma.local [hbm:s6], s20  }
0xa4: {  	_ =	swait.ge [sflag:s22], s20  }
0xa5: {  	s5 =	ssub.s32 $0x0, s20;
	[sflag:s22] =	ssyncset.done $0x0  }
0xa6: {  	[sflag:s22] =	ssyncadd.s32 s5;
	_ =	sdelay $0x1  }
0xa7: {  	s23 =	simm.s32 $0x1B8B  }
0xa8: {  	_ =	swait.ge [sflag:s23], $0x1  }
0xa9: {  	[sflag:s23] =	ssyncset.done $0x0  }
0xaa: {  	s25 =	simm.s32 $0x1B8E;
	s24 =	sld [smem:$0x3FFE];
	[sflag:s23] =	ssyncadd.s32 $0xFFFFFFFF  }
0xab: {  	s26 =	simm.s32 $execute0_lowered;
	[smem:$0x3FD2] =	sst s25  }
0xac: {  	s6 =	sshll.u32 s26, $0x1;
	_ =	strace $0x80000046;
	[dreg:$0x1] =	wrdreg $0xFFFFFFFF  }
0xad: {  	s28 =	simm.s32 $_size_execute0_lowered;
	s4 =	sadd.s32 s4, s6;
	[dreg:$0x0] =	wrdreg $0x0  }
0xae: {  	s6 =	sshll.u32 s28, $0x1;
	[dreg:$0x2] =	wrdreg s4  }
0xaf: {  	[dreg:$0x3] =	wrdreg s6  }
0xb0: {  	[dreg:$0x4] =	wrdreg $0xC0  }
0xb1: {  	_ =	task [dreg:s8], $0x5FFFF  }
0xb2: {  	[dreg:$0x1] =	wrdreg $0xFFFFFFFF  }
0xb3: {  	[dreg:$0x0] =	wrdreg $0x60  }
0xb4: {  	[dreg:$0x2] =	wrdreg s15  }
0xb5: {  	[dreg:$0x3] =	wrdreg s24  }
0xb6: {  	[dreg:$0x4] =	wrdreg s16  }
0xb7: {  	[dreg:$0x5] =	wrdreg $0x9  }
0xb8: {  	_ =	task.clear_ibuf [dreg:s8], $0x6FFFF;
	_ =	strace $0x90000046  }
0xb9: {  	s29 =	simm.s32 $0x9;
	_ =	strace $0x80000048  }
0xba: {  	_ =	swait.ge [sflag:s29], $0x1  }
0xbb: {  	[sflag:s29] =	ssyncadd.s32 $0xFFFFFFFF  }
0xbc: {  	_ =	strace $0x90000048  }
0xbd: {  	_ =	sfence  }
0xbe: {  	s30 =	sld [smem:$0x0];
	_ =	sdelay $0x2  }
0xbf: {  	s31 =	sshll.u32 s1, $0xD;
	s1 =	sshrl.u32 s1, $0x2  }
0xc0: {  	s3 =	sand.u32 $0x4000, s31;
	s1 =	sadd.s32 s1, s30  }
0xc1: {  	s0 =	sor.u32 s3, s0;
	s1 =	sshll.u32 s1, $0x11  }
0xc2: {  	s0 =	sor.u32 s1, s0  }
0xc3: {  	s0 =	sadd.s32 $0x8F2B, s0  }
0xc4: {  	[sflag:s0] =	ssyncadd.remote.s32 $0x1  }
0xc5: {  	_ =	sfence.sel $0xFFFF  }
0xc6: {  	[dreg:$0x0] =	wrdreg $0xFFFFFFFF;
	(pc) =	sbr.abs _section_cstart, $3  }
0xc7: {  	[dreg:$0x1] =	wrdreg $0xFFFFFFFF  }
0xc8: {  	_ =	task.clear_ibuf [dreg:s8], $0x2FFFF;
	_ =	strace $0x9FFFFFFF  }
0xc9: {  	(tm) =	ssettm $0x7FFFFFFF  }
tec
execute0_lowered:
.L_overlay_start_1:
0x0: {  	(tag) =	ssettag $0x1  }
0x1: {  	s1 =	rddreg [dreg:$0x0]  }
0x2: {  	s4 =	rddreg [dreg:$0x1]  }
0x3: {  	s5 =	rddreg [dreg:$0x2];
	s3 =	srdreg.scid  }
0x4: {  	s0 =	rddreg [dreg:$0x3];
	s2 =	stileid.u32;
	s10 =	simm.s32 $0x1080  }
0x5: {  	s11 =	simm.s32 $0x1880;
	s12 =	simm.s32 $0x2080;
	s13 =	simm.s32 $0x2880  }
0x6: {  	s14 =	simm.s32 $0x3080;
	s15 =	simm.s32 $0x3880;
	s16 =	simm.s32 $0x4080  }
0x7: {  	s17 =	simm.s32 $0x4880;
	s18 =	simm.s32 $0x5080;
	s19 =	simm.s32 $0x5880  }
0x8: {  	s20 =	simm.s32 $0x6080;
	s21 =	simm.s32 $0x6880;
	s22 =	simm.s32 $0x7080  }
0x9: {  	s23 =	simm.s32 $0x7880;
	s24 =	simm.s32 $0x1;
	s6 =	sand.u32 $0x1, s3  }
0xa: {  	s3 =	simm.s32 $0x0;
	s7 =	sshll.u32 s2, $0x8;
	s8 =	sshll.u32 s6, $0x7  }
0xb: {  	[smem:$0x7FF] =	sst s3;
	s6 =	ssub.s32 $0x2, s6;
	s7 =	sor.u32 s8, s7  }
0xc: {  	_ =	strace $0x80000047;
	s9 =	sshrl.u32 s6, $0x1;
	s8 =	sshrl.u32 s7, $0x3  }
0xd: {  	v2 =	vlaneseq.u32;
	s6 =	ssub.s32 s6, s9;
	s7 =	sshll.u32 s7, $0x5;
	s9 =	simm.s32 $0x880  }
0xe: {  	vm0 =	vmmov $0xffff;
	v1 =	vshrl.u32 v2, $0x3;
	s4 =	sadd.s32 s8, s4;
	s5 =	sadd.s32 s5, s7;
	s6 =	smax.u32 s6, $0x1  }
0xf: {  	v0 =	vand.u32 $0x7, v2;
	v2 =	vor.u32 $0x8, v2;
	v1 =	vmul.u32 $0x8, v1;
	s7 =	simm.s32 $0x2;
	s8 =	simm.s32 $0x80;
	s4 =	sadd.s32 $0x1600, s4  }
.LBB2_1:
0x10: {  	[tilespmem:s3], [sflag:$0x2] =	stream.linear.gather [hbm4b:s4+s3], $0x80, $0x38;
	[tilespmem:$0x8080] =	vst v63  }
0x11: {  	_ =	swait.ge [sflag:s7], $0x80  }
0x12: {  	[sflag:s7] =	ssyncset.done $0x0  }
0x13: {  	[sflag:s7] =	ssyncadd.s32 $0xFFFFFF80  }
0x14: {  	v3 =	vld [tilespmem:$0x0];
	_ =	sdelay $0x4  }
0x15: {  	v4 =	vshll.u32 v3, $0x1  }
0x16: {  	v3 =	vand.u32 $0x7, v3;
	v4 =	vand.u32 $0xFFFFFFF0, v4  }
0x17: {  	v3 =	vor.u32 v3, v4  }
0x18: {  	v4 =	vperm.xlane v3, v0;
	_ =	sdelay $0x1  }
0x19: {  	v3 =	vperm.xlane v3, v2;
	v4 =	vadd.s32 v1, v4;
	_ =	sdelay $0x1  }
0x1a: {  	v3 =	vadd.s32 v1, v3;
	_ =	sdelay $0x2  }
0x1b: {  	[tilespmem:s8], [sflag:$0x1] =	stream.indirect_vreg.gather [hbm4b:s1+s3], $0x80, v4, vm0, $0xb8;
	[tilespmem:$0x8080] =	vst v63  }
0x1c: {  	_ = 	snop  }
0x1d: {  	[tilespmem:s9], [sflag:$0x1] =	stream.indirect_vreg.gather [hbm4b:s1+s3], $0x80, v3, vm0, $0xb8;
	[tilespmem:$0x8080] =	vst v63  }
0x1e: {  	v3 =	vld [tilespmem:$0x10];
	_ =	sdelay $0x4  }
0x1f: {  	v57 =	vshll.u32 v3, $0x1  }
0x20: {  	v3 =	vand.u32 $0x7, v3;
	v4 =	vand.u32 $0xFFFFFFF0, v57  }
0x21: {  	v3 =	vor.u32 v3, v4  }
0x22: {  	v4 =	vperm.xlane v3, v0;
	_ =	sdelay $0x1  }
0x23: {  	v3 =	vperm.xlane v3, v2;
	v4 =	vadd.s32 v1, v4;
	_ =	sdelay $0x1  }
0x24: {  	v3 =	vadd.s32 v1, v3;
	_ =	sdelay $0x2  }
0x25: {  	[tilespmem:s10], [sflag:$0x1] =	stream.indirect_vreg.gather [hbm4b:s1+s3], $0x80, v4, vm0, $0xb8;
	[tilespmem:$0x8080] =	vst v63  }
0x26: {  	_ = 	snop  }
0x27: {  	[tilespmem:s11], [sflag:$0x1] =	stream.indirect_vreg.gather [hbm4b:s1+s3], $0x80, v3, vm0, $0xb8;
	[tilespmem:$0x8080] =	vst v63  }
0x28: {  	v3 =	vld [tilespmem:$0x20];
	_ =	sdelay $0x4  }
0x29: {  	v58 =	vshll.u32 v3, $0x1  }
0x2a: {  	v3 =	vand.u32 $0x7, v3;
	v4 =	vand.u32 $0xFFFFFFF0, v58  }
0x2b: {  	v3 =	vor.u32 v3, v4  }
0x2c: {  	v4 =	vperm.xlane v3, v0;
	_ =	sdelay $0x1  }
0x2d: {  	v3 =	vperm.xlane v3, v2;
	v4 =	vadd.s32 v1, v4;
	_ =	sdelay $0x1  }
0x2e: {  	v3 =	vadd.s32 v1, v3;
	_ =	sdelay $0x2  }
0x2f: {  	[tilespmem:s12], [sflag:$0x1] =	stream.indirect_vreg.gather [hbm4b:s1+s3], $0x80, v4, vm0, $0xb8;
	[tilespmem:$0x8080] =	vst v63  }
0x30: {  	_ = 	snop  }
0x31: {  	[tilespmem:s13], [sflag:$0x1] =	stream.indirect_vreg.gather [hbm4b:s1+s3], $0x80, v3, vm0, $0xb8;
	[tilespmem:$0x8080] =	vst v63  }
0x32: {  	v3 =	vld [tilespmem:$0x30];
	_ =	sdelay $0x4  }
0x33: {  	v59 =	vshll.u32 v3, $0x1  }
0x34: {  	v3 =	vand.u32 $0x7, v3;
	v4 =	vand.u32 $0xFFFFFFF0, v59  }
0x35: {  	v3 =	vor.u32 v3, v4  }
0x36: {  	v4 =	vperm.xlane v3, v0;
	_ =	sdelay $0x1  }
0x37: {  	v3 =	vperm.xlane v3, v2;
	v4 =	vadd.s32 v1, v4;
	_ =	sdelay $0x1  }
0x38: {  	v3 =	vadd.s32 v1, v3;
	_ =	sdelay $0x2  }
0x39: {  	[tilespmem:s14], [sflag:$0x1] =	stream.indirect_vreg.gather [hbm4b:s1+s3], $0x80, v4, vm0, $0xb8;
	[tilespmem:$0x8080] =	vst v63  }
0x3a: {  	_ = 	snop  }
0x3b: {  	[tilespmem:s15], [sflag:$0x1] =	stream.indirect_vreg.gather [hbm4b:s1+s3], $0x80, v3, vm0, $0xb8;
	[tilespmem:$0x8080] =	vst v63  }
0x3c: {  	v3 =	vld [tilespmem:$0x40];
	_ =	sdelay $0x4  }
0x3d: {  	v60 =	vshll.u32 v3, $0x1  }
0x3e: {  	v3 =	vand.u32 $0x7, v3;
	v4 =	vand.u32 $0xFFFFFFF0, v60  }
0x3f: {  	v3 =	vor.u32 v3, v4  }
0x40: {  	v4 =	vperm.xlane v3, v0;
	_ =	sdelay $0x1  }
0x41: {  	v3 =	vperm.xlane v3, v2;
	v4 =	vadd.s32 v1, v4;
	_ =	sdelay $0x1  }
0x42: {  	v3 =	vadd.s32 v1, v3;
	_ =	sdelay $0x2  }
0x43: {  	[tilespmem:s16], [sflag:$0x1] =	stream.indirect_vreg.gather [hbm4b:s1+s3], $0x80, v4, vm0, $0xb8;
	[tilespmem:$0x8080] =	vst v63  }
0x44: {  	_ = 	snop  }
0x45: {  	[tilespmem:s17], [sflag:$0x1] =	stream.indirect_vreg.gather [hbm4b:s1+s3], $0x80, v3, vm0, $0xb8;
	[tilespmem:$0x8080] =	vst v63  }
0x46: {  	v3 =	vld [tilespmem:$0x50];
	_ =	sdelay $0x4  }
0x47: {  	v61 =	vshll.u32 v3, $0x1  }
0x48: {  	v3 =	vand.u32 $0x7, v3;
	v4 =	vand.u32 $0xFFFFFFF0, v61  }
0x49: {  	v3 =	vor.u32 v3, v4  }
0x4a: {  	v4 =	vperm.xlane v3, v0;
	_ =	sdelay $0x1  }
0x4b: {  	v3 =	vperm.xlane v3, v2;
	v4 =	vadd.s32 v1, v4;
	_ =	sdelay $0x1  }
0x4c: {  	v3 =	vadd.s32 v1, v3;
	_ =	sdelay $0x2  }
0x4d: {  	[tilespmem:s18], [sflag:$0x1] =	stream.indirect_vreg.gather [hbm4b:s1+s3], $0x80, v4, vm0, $0xb8;
	[tilespmem:$0x8080] =	vst v63  }
0x4e: {  	_ = 	snop  }
0x4f: {  	[tilespmem:s19], [sflag:$0x1] =	stream.indirect_vreg.gather [hbm4b:s1+s3], $0x80, v3, vm0, $0xb8;
	[tilespmem:$0x8080] =	vst v63  }
0x50: {  	v3 =	vld [tilespmem:$0x60];
	_ =	sdelay $0x4  }
0x51: {  	v62 =	vshll.u32 v3, $0x1  }
0x52: {  	v3 =	vand.u32 $0x7, v3;
	v4 =	vand.u32 $0xFFFFFFF0, v62  }
0x53: {  	v3 =	vor.u32 v3, v4  }
0x54: {  	v4 =	vperm.xlane v3, v0;
	_ =	sdelay $0x1  }
0x55: {  	v3 =	vperm.xlane v3, v2;
	v4 =	vadd.s32 v1, v4;
	_ =	sdelay $0x1  }
0x56: {  	v3 =	vadd.s32 v1, v3;
	_ =	sdelay $0x2  }
0x57: {  	[tilespmem:s20], [sflag:$0x1] =	stream.indirect_vreg.gather [hbm4b:s1+s3], $0x80, v4, vm0, $0xb8;
	[tilespmem:$0x8080] =	vst v63  }
0x58: {  	_ = 	snop  }
0x59: {  	[tilespmem:s21], [sflag:$0x1] =	stream.indirect_vreg.gather [hbm4b:s1+s3], $0x80, v3, vm0, $0xb8;
	[tilespmem:$0x8080] =	vst v63  }
0x5a: {  	v3 =	vld [tilespmem:$0x70];
	_ =	sdelay $0x4  }
0x5b: {  	v63 =	vshll.u32 v3, $0x1  }
0x5c: {  	v3 =	vand.u32 $0x7, v3;
	v4 =	vand.u32 $0xFFFFFFF0, v63  }
0x5d: {  	v3 =	vor.u32 v3, v4  }
0x5e: {  	v4 =	vperm.xlane v3, v0;
	_ =	sdelay $0x1  }
0x5f: {  	v3 =	vperm.xlane v3, v2;
	v4 =	vadd.s32 v1, v4;
	_ =	sdelay $0x1  }
0x60: {  	v3 =	vadd.s32 v1, v3;
	_ =	sdelay $0x2  }
0x61: {  	[tilespmem:s22], [sflag:$0x1] =	stream.indirect_vreg.gather [hbm4b:s1+s3], $0x80, v4, vm0, $0xb8;
	[tilespmem:$0x8080] =	vst v63  }
0x62: {  	_ = 	snop  }
0x63: {  	[tilespmem:s23], [sflag:$0x1] =	stream.indirect_vreg.gather [hbm4b:s1+s3], $0x80, v3, vm0, $0xb8;
	[tilespmem:$0x8080] =	vst v63  }
0x64: {  	_ =	swait.ge [sflag:s24], $0x8000  }
0x65: {  	p0 =	sne.s32 s6, $0x1;
	[sflag:s24] =	ssyncset.done $0x0  }
.Ltmp0:
0x66: {  	[sflag:s24] =	ssyncadd.s32 $0xFFFF8000;
	(pc) =	sbr.rel @p0 .LBB2_1-.Ltmp0, $4  }
0x67: {  	[hbm4b:s5+s3] =	stream.linear.scatter [tilespmem:s8], [sflag:$0x2], $0x8000, $0x38;
	[tilespmem:$0x8080] =	vst v63  }
0x68: {  	_ =	swait.ge [sflag:s7], $0x8000  }
0x69: {  	[sflag:s7] =	ssyncset.done $0x0  }
0x6a: {  	s6 =	sadd.s32 $0xFFFFFFFF, s6;
	[sflag:s7] =	ssyncadd.s32 $0xFFFF8000  }
0x6b: {  	_ =	sfence.sel $0x180000  }
0x6c: {  	[bflag:$0x0] =	sbarrier.arrive $0xFFFF  }
0x6d: {  	p0 =	sne.s32 s2, $0x0;
	_ =	strace $0x90000047  }
0x6e: {  	s0 =	sadd.s32 @!p0 $0x100000, s0;
	[bflag:$0x2] =	sbarrier.arrive $0xFFFF  }
0x6f: {  	[sflag:s0] =	ssyncadd.tile.s32 @!p0 $0x1;
	_ =	shalt  }
.Lfunc_end2:
_tile_overlayer_lowered:
.L_overlay_start_2:
0x70: {  	(tag) =	ssettag $0x2  }
0x71: {  	s0 =	rddreg [dreg:$0x0];
	s2 =	stileid.u32  }
0x72: {  	s1 =	rddreg [dreg:$0x1];
	p0 =	sne.s32 s2, $0x0  }
0x73: {  	s3 =	rddreg [dreg:$0x2];
	[bflag:$0x3] =	sbarrier.arrive $0xFFFF;
	s2 =	simm.s32 @!p0 $0x1C02  }
0x74: {  	[timem:s3], [sflag:s2] =	dma.local @!p0 [hbm:s0], s1  }
0x75: {  	s0 =	simm.s32 @!p0 $0x2  }
0x76: {  	_ =	swait.ge @!p0 [sflag:s0], s1  }
0x77: {  	s1 =	ssub.s32 @!p0 $0x0, s1;
	[sflag:s0] =	ssyncset.done @!p0 $0x0  }
0x78: {  	[sflag:s0] =	ssyncadd.s32 @!p0 s1  }
0x79: {  	[bflag:$0x3] =	sbarrier.arrive $0xFFFF  }
0x7a: {  	_ =	shalt  }

</sc_bundles>
